<compile_context>
chip_gen: v7x
topology: tpu7x:2x2x1
jax: 0.10.2.dev20260603
libtpu: 0.0.44.dev20260713+nightly
codegen_flags: <defaults>
</compile_context>

<pallas_src>
import functools

import jax
import jax.numpy as jnp
from jax import lax
from jax.experimental import pallas as pl
from jax.experimental.pallas import tpu as pltpu
import jax.experimental.pallas.tpu_sc as plsc

_R, _C = 4096, 1024
_BLK = 512
_G = _R // _BLK
_N = _R * _C

_NC, _NS, _L = 2, 16, 16
_NW = _NC * _NS
_PER_W = _N // _NW
_CHUNK = 16384
_NCHUNK = _PER_W // _CHUNK
_UNROLL = 4

_SQRT1_2 = 0.7071067811865476


def _erf(x):
    s = jnp.sign(x)
    a = jnp.abs(x)
    t = 1.0 / (1.0 + 0.3275911 * a)
    poly = t * (0.254829592 + t * (-0.284496736 + t * (1.421413741
               + t * (-1.453152027 + t * 1.061405429))))
    return s * (1.0 - poly * jnp.exp(-a * a))


def _sc_stats_body(p_hbm, t_hbm, out_hbm, pbuf, tbuf, obuf, sem):
    c = lax.axis_index("c")
    s = lax.axis_index("s")
    wid = s * _NC + c
    base = wid * _PER_W

    zeros = jnp.zeros((_L,), jnp.float32)
    ninf = jnp.full((_L,), -jnp.inf, jnp.float32)
    pinf = jnp.full((_L,), jnp.inf, jnp.float32)

    def chunk_step(k, carry):
        off = base + k * _CHUNK
        pltpu.sync_copy(p_hbm.at[pl.ds(off, _CHUNK)], pbuf)
        pltpu.sync_copy(t_hbm.at[pl.ds(off, _CHUNK)], tbuf)

        def vec_step(j, carry2):
            (t_sum, t_sumsq, t_max, p_sum, p_sumsq, p_max, p_min) = carry2
            jbase = j * (_L * _UNROLL)
            for u in range(_UNROLL):
                tv = tbuf[pl.ds(jbase + u * _L, _L)]
                pv = pbuf[pl.ds(jbase + u * _L, _L)]
                t_sum = t_sum + tv
                t_sumsq = t_sumsq + tv * tv
                t_max = jnp.maximum(t_max, tv)
                p_sum = p_sum + pv
                p_sumsq = p_sumsq + pv * pv
                p_max = jnp.maximum(p_max, pv)
                p_min = jnp.minimum(p_min, pv)
            return (t_sum, t_sumsq, t_max, p_sum, p_sumsq, p_max, p_min)

        return lax.fori_loop(0, _CHUNK // (_L * _UNROLL), vec_step, carry)

    init = (zeros, zeros, ninf, zeros, zeros, ninf, pinf)
    (t_sum, t_sumsq, t_max, p_sum, p_sumsq, p_max, p_min) = lax.fori_loop(
        0, _NCHUNK, chunk_step, init)

    for k, vec in enumerate(
            (t_sum, t_sumsq, t_max, p_sum, p_sumsq, p_max, p_min, zeros)):
        obuf[pl.ds(k * _L, _L)] = vec
    pltpu.sync_copy(obuf, out_hbm.at[pl.ds(wid * 8 * _L, 8 * _L)])


def _loss_body(stats_ref, p_ref, t_ref, out_ref, acc_ref):
    i = pl.program_id(0)
    n = jnp.float32(_N)
    s2 = stats_ref[...]
    t_sum = jnp.sum(s2[:, 0 * _L:1 * _L])
    t_sumsq = jnp.sum(s2[:, 1 * _L:2 * _L])
    t_maxv = jnp.max(s2[:, 2 * _L:3 * _L])
    p_sum = jnp.sum(s2[:, 3 * _L:4 * _L])
    p_sumsq = jnp.sum(s2[:, 4 * _L:5 * _L])
    p_max = jnp.max(s2[:, 5 * _L:6 * _L])
    p_min = jnp.min(s2[:, 6 * _L:7 * _L])

    t_mu = t_sum / n
    t_sd = jnp.sqrt((t_sumsq - n * t_mu * t_mu) / (n - 1.0))
    beta = 0.1 * t_maxv
    p_mu = p_sum / n
    p_sd = jnp.sqrt((p_sumsq - n * p_mu * p_mu) / (n - 1.0))

    inv_t = _SQRT1_2 / t_sd
    inv_p = _SQRT1_2 / p_sd

    p = p_ref[...]
    t = t_ref[...]

    diff = p - t
    absd = jnp.abs(diff)
    l1 = jnp.where(absd < beta, 0.5 * diff * diff / beta, absd - 0.5 * beta)

    cdf_t = 0.5 * (1.0 + _erf((t - t_mu) * inv_t))
    cdf_p = 0.5 * (1.0 + _erf((t - p_mu) * inv_p))
    lo = 0.5 * (1.0 + _erf((p_min - p_mu) * inv_p))
    hi = 0.5 * (1.0 + _erf((p_max - p_mu) * inv_p))
    cdf_p = jnp.clip(cdf_p, lo, hi)
    ks = jnp.abs(cdf_t - cdf_p)

    @pl.when(i == 0)
    def _init():
        acc_ref[0] = 0.0
        acc_ref[1] = -jnp.inf

    acc_ref[0] += jnp.sum(l1)
    acc_ref[1] = jnp.maximum(acc_ref[1], jnp.max(ks))

    @pl.when(i == _G - 1)
    def _done():
        out_ref[0] = 0.5 * (acc_ref[0] / n) + 0.5 * acc_ref[1]


@jax.jit
def _loss(predictions, targets):
    mesh = plsc.VectorSubcoreMesh(
        core_axis_name="c", subcore_axis_name="s", num_cores=_NC)
    stats = pl.kernel(
        _sc_stats_body,
        out_type=jax.ShapeDtypeStruct((_NW * 8 * _L,), jnp.float32),
        mesh=mesh,
        scratch_types=[
            pltpu.VMEM((_CHUNK,), jnp.float32),
            pltpu.VMEM((_CHUNK,), jnp.float32),
            pltpu.VMEM((8 * _L,), jnp.float32),
            pltpu.SemaphoreType.DMA,
        ],
    )(predictions.reshape(_N), targets.reshape(_N))
    stats = stats.reshape(_NW, 8 * _L)

    blk = pl.BlockSpec((_BLK, _C), lambda i: (i, 0))
    loss = pl.pallas_call(
        _loss_body,
        grid=(_G,),
        in_specs=[pl.BlockSpec((_NW, 8 * _L), lambda i: (0, 0)), blk, blk],
        out_specs=pl.BlockSpec(memory_space=pltpu.SMEM),
        out_shape=jax.ShapeDtypeStruct((1,), jnp.float32),
        scratch_shapes=[pltpu.SMEM((2,), jnp.float32)],
        compiler_params=pltpu.CompilerParams(
            dimension_semantics=("arbitrary",)),
    )(stats, predictions, targets)
    return loss[0]


def kernel(predictions, targets, write_idx=0):
    return _loss(predictions, targets)

# --- scband reference (transcript-rebuilt; emitter-appended) ---
"""Pipeline reference for scband-smooth-l1-ksloss-36232344109096 (READ-ONLY COPY).

The authoritative reference and input builder live on the scoring server;
editing this copy changes nothing except your own understanding.
"""

import jax, jax.numpy as jnp
import numpy as np
from jax.scipy.special import erf

KS_FRAC = 0.5
KS_SCALE = 1.0
L1_SCALE = 1.0


def _normal_cdf(x, loc, scale):
    return 0.5 * (1.0 + erf((x - loc) / (scale * jnp.sqrt(2.0))))


def setup_inputs(seed: int = 0) -> dict:
    key = jax.random.key(seed)
    k1, k2 = jax.random.split(key)
    predictions = jax.random.normal(k1, (4096, 1024), dtype=jnp.float32)
    targets = jax.random.normal(k2, (4096, 1024), dtype=jnp.float32)
    return {"predictions": predictions, "targets": targets, "write_idx": 0}


def reference(predictions, targets, write_idx=0):
    # Smooth-L1 part (beta = 0.1 * targets.max(), as in the torch module)
    beta = 0.1 * jnp.max(targets)
    diff = predictions - targets
    absd = jnp.abs(diff)
    mask = absd < beta
    l1_loss = jnp.where(mask, 0.5 * diff ** 2 / beta, absd - 0.5 * beta)

    # Kolmogorov-Smirnov part: compare fitted-normal CDFs of targets vs predictions
    t_mu = jnp.mean(targets)
    t_sd = jnp.std(targets, ddof=1)  # torch.std is unbiased
    cdf = jnp.sort(_normal_cdf(targets, t_mu, t_sd).ravel())

    p_mu = jnp.mean(predictions)
    p_sd = jnp.std(predictions, ddof=1)
    cdf_pred = jnp.sort(_normal_cdf(predictions, p_mu, p_sd).ravel())

    vals = jnp.sort(targets.ravel())
    vals_pred = jnp.sort(predictions.ravel())

    # Interp1d: linear interpolation of cdf_pred (at x=vals_pred) evaluated at vals
    cdf_interp = jnp.interp(vals, vals_pred, cdf_pred)
    ks_loss = jnp.max(jnp.abs(cdf - cdf_interp))

    l1_frac = 1.0 - KS_FRAC
    loss = l1_frac * jnp.mean(l1_loss) * L1_SCALE + KS_FRAC * ks_loss * KS_SCALE
    return loss

if __name__ == "__main__":
    import jax
    _d = setup_inputs()
    print(jax.jit(kernel)(*tuple(_d.values())))

</pallas_src>

<mosaic_0001>
#map = affine_map<(d0, d1) -> (0)>
module attributes {stable_mosaic.version = 14 : i64} {
  func.func @_sc_stats_body(%arg0: i32, %arg1: i32, %arg2: memref<4194304xf32, #tpu.memory_space<hbm>>, %arg3: memref<4194304xf32, #tpu.memory_space<hbm>>, %arg4: memref<4096xf32, #tpu.memory_space<hbm>>, %arg5: memref<16384xf32, #tpu.memory_space<vmem>>, %arg6: memref<16384xf32, #tpu.memory_space<vmem>>, %arg7: memref<128xf32, #tpu.memory_space<vmem>>, %arg8: memref<!tpu.dma_semaphore, #tpu.memory_space<semaphore_mem>>) attributes {dimension_semantics = [#tpu.dimension_semantics<core_parallel>, #tpu.dimension_semantics<subcore_parallel>], iteration_bounds = array<i64: 2, 16>, scalar_prefetch = 0 : i64, scratch_operands = 4 : i64, tpu.core_type = #tpu.core_type<sc_vector_subcore>, window_params = [{transform_indices = #map}, {transform_indices = #map}, {transform_indices = #map}]} {
    %mul3A = arith.constant 2 : i32
    %mul3A_0 = arith.muli %arg1, %mul3A : i32
    %add3A = arith.addi %mul3A_0, %arg0 : i32
    %mul3A_1 = arith.constant 131072 : i32
    %mul3A_2 = arith.muli %add3A, %mul3A_1 : i32
    %broadcast_in_dim3A = arith.constant 0.000000e+00 : f32
    %broadcast_in_dim3A_3 = vector.broadcast %broadcast_in_dim3A : f32 to vector<16xf32>
    %broadcast_in_dim3A_4 = arith.constant 0xFF800000 : f32
    %broadcast_in_dim3A_5 = vector.broadcast %broadcast_in_dim3A_4 : f32 to vector<16xf32>
    %broadcast_in_dim3A_6 = arith.constant 0x7F800000 : f32
    %broadcast_in_dim3A_7 = vector.broadcast %broadcast_in_dim3A_6 : f32 to vector<16xf32>
    %scan3A = arith.constant 0 : i32
    %scan3A_8 = arith.constant 8 : i32
    %scan3A_9 = arith.addi %scan3A, %scan3A_8 : i32
    %scan3A_10 = arith.constant 1 : i32
    %scan3A_11:7 = scf.for %scan3A_48 = %scan3A to %scan3A_9 step %scan3A_10 iter_args(%scan3A_49 = %broadcast_in_dim3A_3, %scan3A_50 = %broadcast_in_dim3A_3, %scan3A_51 = %broadcast_in_dim3A_5, %scan3A_52 = %broadcast_in_dim3A_3, %scan3A_53 = %broadcast_in_dim3A_3, %scan3A_54 = %broadcast_in_dim3A_5, %scan3A_55 = %broadcast_in_dim3A_7) -> (vector<16xf32>, vector<16xf32>, vector<16xf32>, vector<16xf32>, vector<16xf32>, vector<16xf32>, vector<16xf32>)  : i32 {
      %mul3A_56 = arith.constant 16384 : i32
      %mul3A_57 = arith.muli %scan3A_48, %mul3A_56 : i32
      %add3A_58 = arith.addi %mul3A_2, %mul3A_57 : i32
      "tpu.region"() ({
        %run_scoped3A = tpu.sem_alloc : memref<!tpu.dma_semaphore, #tpu.memory_space<semaphore_mem>>
        %dma_start3A = tpu.memref_slice %arg2[%add3A_58] : memref<4194304xf32, #tpu.memory_space<hbm>> -> memref<16384xf32, #tpu.memory_space<hbm>>
        %dma_start3A_65 = tpu.memref_slice %arg2[%add3A_58] : memref<4194304xf32, #tpu.memory_space<hbm>> -> memref<16384xf32, #tpu.memory_space<hbm>>
        tpu.enqueue_dma source(%dma_start3A_65 : memref<16384xf32, #tpu.memory_space<hbm>>) target(%arg5 : memref<16384xf32, #tpu.memory_space<vmem>>) target_semaphore(%run_scoped3A : memref<!tpu.dma_semaphore, #tpu.memory_space<semaphore_mem>>)
        %dma_wait3A = tpu.memref_slice %arg2[%add3A_58] : memref<4194304xf32, #tpu.memory_space<hbm>> -> memref<16384xf32, #tpu.memory_space<hbm>>
        %dma_wait3A_66 = tpu.memref_slice %arg2[%add3A_58] : memref<4194304xf32, #tpu.memory_space<hbm>> -> memref<16384xf32, #tpu.memory_space<hbm>>
        tpu.wait_dma2 semaphore(%run_scoped3A : memref<!tpu.dma_semaphore, #tpu.memory_space<semaphore_mem>>) src(%dma_wait3A_66 : memref<16384xf32, #tpu.memory_space<hbm>>) dst(%arg5 : memref<16384xf32, #tpu.memory_space<vmem>>)
        tpu.yield
      }) : () -> ()
      "tpu.region"() ({
        %run_scoped3A = tpu.sem_alloc : memref<!tpu.dma_semaphore, #tpu.memory_space<semaphore_mem>>
        %dma_start3A = tpu.memref_slice %arg3[%add3A_58] : memref<4194304xf32, #tpu.memory_space<hbm>> -> memref<16384xf32, #tpu.memory_space<hbm>>
        %dma_start3A_65 = tpu.memref_slice %arg3[%add3A_58] : memref<4194304xf32, #tpu.memory_space<hbm>> -> memref<16384xf32, #tpu.memory_space<hbm>>
        tpu.enqueue_dma source(%dma_start3A_65 : memref<16384xf32, #tpu.memory_space<hbm>>) target(%arg6 : memref<16384xf32, #tpu.memory_space<vmem>>) target_semaphore(%run_scoped3A : memref<!tpu.dma_semaphore, #tpu.memory_space<semaphore_mem>>)
        %dma_wait3A = tpu.memref_slice %arg3[%add3A_58] : memref<4194304xf32, #tpu.memory_space<hbm>> -> memref<16384xf32, #tpu.memory_space<hbm>>
        %dma_wait3A_66 = tpu.memref_slice %arg3[%add3A_58] : memref<4194304xf32, #tpu.memory_space<hbm>> -> memref<16384xf32, #tpu.memory_space<hbm>>
        tpu.wait_dma2 semaphore(%run_scoped3A : memref<!tpu.dma_semaphore, #tpu.memory_space<semaphore_mem>>) src(%dma_wait3A_66 : memref<16384xf32, #tpu.memory_space<hbm>>) dst(%arg6 : memref<16384xf32, #tpu.memory_space<vmem>>)
        tpu.yield
      }) : () -> ()
      %scan3A_59 = arith.constant 0 : i32
      %scan3A_60 = arith.constant 256 : i32
      %scan3A_61 = arith.addi %scan3A_59, %scan3A_60 : i32
      %scan3A_62 = arith.constant 1 : i32
      %scan3A_63:7 = scf.for %scan3A_65 = %scan3A_59 to %scan3A_61 step %scan3A_62 iter_args(%scan3A_66 = %scan3A_49, %scan3A_67 = %scan3A_50, %scan3A_68 = %scan3A_51, %scan3A_69 = %scan3A_52, %scan3A_70 = %scan3A_53, %scan3A_71 = %scan3A_54, %scan3A_72 = %scan3A_55) -> (vector<16xf32>, vector<16xf32>, vector<16xf32>, vector<16xf32>, vector<16xf32>, vector<16xf32>, vector<16xf32>)  : i32 {
        %mul3A_73 = arith.constant 64 : i32
        %mul3A_74 = arith.muli %scan3A_65, %mul3A_73 : i32
        %add3A_75 = arith.constant 0 : i32
        %add3A_76 = arith.addi %mul3A_74, %add3A_75 : i32
        %get3A = arith.index_cast %add3A_76 : i32 to index
        %get3A_77 = tpu.vector_load %arg6[%get3A] {strides = array<i32>} : memref<16384xf32, #tpu.memory_space<vmem>>, vector<16xf32>,
        %get3A_78 = vector.shape_cast %get3A_77 : vector<16xf32> to vector<16xf32>
        %add3A_79 = arith.constant 0 : i32
        %add3A_80 = arith.addi %mul3A_74, %add3A_79 : i32
        %get3A_81 = arith.index_cast %add3A_80 : i32 to index
        %get3A_82 = tpu.vector_load %arg5[%get3A_81] {strides = array<i32>} : memref<16384xf32, #tpu.memory_space<vmem>>, vector<16xf32>,
        %get3A_83 = vector.shape_cast %get3A_82 : vector<16xf32> to vector<16xf32>
        %add3A_84 = arith.addf %scan3A_66, %get3A_78 : vector<16xf32>
        %mul3A_85 = arith.mulf %get3A_78, %get3A_78 : vector<16xf32>
        %add3A_86 = arith.addf %scan3A_67, %mul3A_85 : vector<16xf32>
        %max3A = arith.maximumf %scan3A_68, %get3A_78 : vector<16xf32>
        %add3A_87 = arith.addf %scan3A_69, %get3A_83 : vector<16xf32>
        %mul3A_88 = arith.mulf %get3A_83, %get3A_83 : vector<16xf32>
        %add3A_89 = arith.addf %scan3A_70, %mul3A_88 : vector<16xf32>
        %max3A_90 = arith.maximumf %scan3A_71, %get3A_83 : vector<16xf32>
        %min3A = arith.minimumf %scan3A_72, %get3A_83 : vector<16xf32>
        %add3A_91 = arith.constant 16 : i32
        %add3A_92 = arith.addi %mul3A_74, %add3A_91 : i32
        %get3A_93 = arith.index_cast %add3A_92 : i32 to index
        %get3A_94 = tpu.vector_load %arg6[%get3A_93] {strides = array<i32>} : memref<16384xf32, #tpu.memory_space<vmem>>, vector<16xf32>,
        %get3A_95 = vector.shape_cast %get3A_94 : vector<16xf32> to vector<16xf32>
        %add3A_96 = arith.constant 16 : i32
        %add3A_97 = arith.addi %mul3A_74, %add3A_96 : i32
        %get3A_98 = arith.index_cast %add3A_97 : i32 to index
        %get3A_99 = tpu.vector_load %arg5[%get3A_98] {strides = array<i32>} : memref<16384xf32, #tpu.memory_space<vmem>>, vector<16xf32>,
        %get3A_100 = vector.shape_cast %get3A_99 : vector<16xf32> to vector<16xf32>
        %add3A_101 = arith.addf %add3A_84, %get3A_95 : vector<16xf32>
        %mul3A_102 = arith.mulf %get3A_95, %get3A_95 : vector<16xf32>
        %add3A_103 = arith.addf %add3A_86, %mul3A_102 : vector<16xf32>
        %max3A_104 = arith.maximumf %max3A, %get3A_95 : vector<16xf32>
        %add3A_105 = arith.addf %add3A_87, %get3A_100 : vector<16xf32>
        %mul3A_106 = arith.mulf %get3A_100, %get3A_100 : vector<16xf32>
        %add3A_107 = arith.addf %add3A_89, %mul3A_106 : vector<16xf32>
        %max3A_108 = arith.maximumf %max3A_90, %get3A_100 : vector<16xf32>
        %min3A_109 = arith.minimumf %min3A, %get3A_100 : vector<16xf32>
        %add3A_110 = arith.constant 32 : i32
        %add3A_111 = arith.addi %mul3A_74, %add3A_110 : i32
        %get3A_112 = arith.index_cast %add3A_111 : i32 to index
        %get3A_113 = tpu.vector_load %arg6[%get3A_112] {strides = array<i32>} : memref<16384xf32, #tpu.memory_space<vmem>>, vector<16xf32>,
        %get3A_114 = vector.shape_cast %get3A_113 : vector<16xf32> to vector<16xf32>
        %add3A_115 = arith.constant 32 : i32
        %add3A_116 = arith.addi %mul3A_74, %add3A_115 : i32
        %get3A_117 = arith.index_cast %add3A_116 : i32 to index
        %get3A_118 = tpu.vector_load %arg5[%get3A_117] {strides = array<i32>} : memref<16384xf32, #tpu.memory_space<vmem>>, vector<16xf32>,
        %get3A_119 = vector.shape_cast %get3A_118 : vector<16xf32> to vector<16xf32>
        %add3A_120 = arith.addf %add3A_101, %get3A_114 : vector<16xf32>
        %mul3A_121 = arith.mulf %get3A_114, %get3A_114 : vector<16xf32>
        %add3A_122 = arith.addf %add3A_103, %mul3A_121 : vector<16xf32>
        %max3A_123 = arith.maximumf %max3A_104, %get3A_114 : vector<16xf32>
        %add3A_124 = arith.addf %add3A_105, %get3A_119 : vector<16xf32>
        %mul3A_125 = arith.mulf %get3A_119, %get3A_119 : vector<16xf32>
        %add3A_126 = arith.addf %add3A_107, %mul3A_125 : vector<16xf32>
        %max3A_127 = arith.maximumf %max3A_108, %get3A_119 : vector<16xf32>
        %min3A_128 = arith.minimumf %min3A_109, %get3A_119 : vector<16xf32>
        %add3A_129 = arith.constant 48 : i32
        %add3A_130 = arith.addi %mul3A_74, %add3A_129 : i32
        %get3A_131 = arith.index_cast %add3A_130 : i32 to index
        %get3A_132 = tpu.vector_load %arg6[%get3A_131] {strides = array<i32>} : memref<16384xf32, #tpu.memory_space<vmem>>, vector<16xf32>,
        %get3A_133 = vector.shape_cast %get3A_132 : vector<16xf32> to vector<16xf32>
        %add3A_134 = arith.constant 48 : i32
        %add3A_135 = arith.addi %mul3A_74, %add3A_134 : i32
        %get3A_136 = arith.index_cast %add3A_135 : i32 to index
        %get3A_137 = tpu.vector_load %arg5[%get3A_136] {strides = array<i32>} : memref<16384xf32, #tpu.memory_space<vmem>>, vector<16xf32>,
        %get3A_138 = vector.shape_cast %get3A_137 : vector<16xf32> to vector<16xf32>
        %add3A_139 = arith.addf %add3A_120, %get3A_133 : vector<16xf32>
        %mul3A_140 = arith.mulf %get3A_133, %get3A_133 : vector<16xf32>
        %add3A_141 = arith.addf %add3A_122, %mul3A_140 : vector<16xf32>
        %max3A_142 = arith.maximumf %max3A_123, %get3A_133 : vector<16xf32>
        %add3A_143 = arith.addf %add3A_124, %get3A_138 : vector<16xf32>
        %mul3A_144 = arith.mulf %get3A_138, %get3A_138 : vector<16xf32>
        %add3A_145 = arith.addf %add3A_126, %mul3A_144 : vector<16xf32>
        %max3A_146 = arith.maximumf %max3A_127, %get3A_138 : vector<16xf32>
        %min3A_147 = arith.minimumf %min3A_128, %get3A_138 : vector<16xf32>
        scf.yield %add3A_139, %add3A_141, %max3A_142, %add3A_143, %add3A_145, %max3A_146, %min3A_147 : vector<16xf32>, vector<16xf32>, vector<16xf32>, vector<16xf32>, vector<16xf32>, vector<16xf32>, vector<16xf32>
      }
      %scan3A_64 = arith.constant 256 : i32
      scf.yield %scan3A_63#0, %scan3A_63#1, %scan3A_63#2, %scan3A_63#3, %scan3A_63#4, %scan3A_63#5, %scan3A_63#6 : vector<16xf32>, vector<16xf32>, vector<16xf32>, vector<16xf32>, vector<16xf32>, vector<16xf32>, vector<16xf32>
    }
    %scan3A_12 = arith.constant 8 : i32
    %swap3A = arith.constant 0 : index
    %swap3A_13 = tpu.vector_load %arg7[%swap3A] {strides = array<i32>} : memref<128xf32, #tpu.memory_space<vmem>>, vector<16xf32>,
    %swap3A_14 = vector.shape_cast %swap3A_13 : vector<16xf32> to vector<16xf32>
    %swap3A_15 = vector.shape_cast %scan3A_11#0 : vector<16xf32> to vector<16xf32>
    tpu.vector_store %arg7[%swap3A], %swap3A_15 {strides = array<i32>} : memref<128xf32, #tpu.memory_space<vmem>>, vector<16xf32>,
    %swap3A_16 = arith.constant 16 : index
    %swap3A_17 = tpu.vector_load %arg7[%swap3A_16] {strides = array<i32>} : memref<128xf32, #tpu.memory_space<vmem>>, vector<16xf32>,
    %swap3A_18 = vector.shape_cast %swap3A_17 : vector<16xf32> to vector<16xf32>
    %swap3A_19 = vector.shape_cast %scan3A_11#1 : vector<16xf32> to vector<16xf32>
    tpu.vector_store %arg7[%swap3A_16], %swap3A_19 {strides = array<i32>} : memref<128xf32, #tpu.memory_space<vmem>>, vector<16xf32>,
    %swap3A_20 = arith.constant 32 : index
    %swap3A_21 = tpu.vector_load %arg7[%swap3A_20] {strides = array<i32>} : memref<128xf32, #tpu.memory_space<vmem>>, vector<16xf32>,
    %swap3A_22 = vector.shape_cast %swap3A_21 : vector<16xf32> to vector<16xf32>
    %swap3A_23 = vector.shape_cast %scan3A_11#2 : vector<16xf32> to vector<16xf32>
    tpu.vector_store %arg7[%swap3A_20], %swap3A_23 {strides = array<i32>} : memref<128xf32, #tpu.memory_space<vmem>>, vector<16xf32>,
    %swap3A_24 = arith.constant 48 : index
    %swap3A_25 = tpu.vector_load %arg7[%swap3A_24] {strides = array<i32>} : memref<128xf32, #tpu.memory_space<vmem>>, vector<16xf32>,
    %swap3A_26 = vector.shape_cast %swap3A_25 : vector<16xf32> to vector<16xf32>
    %swap3A_27 = vector.shape_cast %scan3A_11#3 : vector<16xf32> to vector<16xf32>
    tpu.vector_store %arg7[%swap3A_24], %swap3A_27 {strides = array<i32>} : memref<128xf32, #tpu.memory_space<vmem>>, vector<16xf32>,
    %swap3A_28 = arith.constant 64 : index
    %swap3A_29 = tpu.vector_load %arg7[%swap3A_28] {strides = array<i32>} : memref<128xf32, #tpu.memory_space<vmem>>, vector<16xf32>,
    %swap3A_30 = vector.shape_cast %swap3A_29 : vector<16xf32> to vector<16xf32>
    %swap3A_31 = vector.shape_cast %scan3A_11#4 : vector<16xf32> to vector<16xf32>
    tpu.vector_store %arg7[%swap3A_28], %swap3A_31 {strides = array<i32>} : memref<128xf32, #tpu.memory_space<vmem>>, vector<16xf32>,
    %swap3A_32 = arith.constant 80 : index
    %swap3A_33 = tpu.vector_load %arg7[%swap3A_32] {strides = array<i32>} : memref<128xf32, #tpu.memory_space<vmem>>, vector<16xf32>,
    %swap3A_34 = vector.shape_cast %swap3A_33 : vector<16xf32> to vector<16xf32>
    %swap3A_35 = vector.shape_cast %scan3A_11#5 : vector<16xf32> to vector<16xf32>
    tpu.vector_store %arg7[%swap3A_32], %swap3A_35 {strides = array<i32>} : memref<128xf32, #tpu.memory_space<vmem>>, vector<16xf32>,
    %swap3A_36 = arith.constant 96 : index
    %swap3A_37 = tpu.vector_load %arg7[%swap3A_36] {strides = array<i32>} : memref<128xf32, #tpu.memory_space<vmem>>, vector<16xf32>,
    %swap3A_38 = vector.shape_cast %swap3A_37 : vector<16xf32> to vector<16xf32>
    %swap3A_39 = vector.shape_cast %scan3A_11#6 : vector<16xf32> to vector<16xf32>
    tpu.vector_store %arg7[%swap3A_36], %swap3A_39 {strides = array<i32>} : memref<128xf32, #tpu.memory_space<vmem>>, vector<16xf32>,
    %swap3A_40 = arith.constant 112 : index
    %swap3A_41 = tpu.vector_load %arg7[%swap3A_40] {strides = array<i32>} : memref<128xf32, #tpu.memory_space<vmem>>, vector<16xf32>,
    %swap3A_42 = vector.shape_cast %swap3A_41 : vector<16xf32> to vector<16xf32>
    %swap3A_43 = vector.shape_cast %broadcast_in_dim3A_3 : vector<16xf32> to vector<16xf32>
    tpu.vector_store %arg7[%swap3A_40], %swap3A_43 {strides = array<i32>} : memref<128xf32, #tpu.memory_space<vmem>>, vector<16xf32>,
    %mul3A_44 = arith.constant 8 : i32
    %mul3A_45 = arith.muli %add3A, %mul3A_44 : i32
    %mul3A_46 = arith.constant 16 : i32
    %mul3A_47 = arith.muli %mul3A_45, %mul3A_46 : i32
    "tpu.region"() ({
      %run_scoped3A = tpu.sem_alloc : memref<!tpu.dma_semaphore, #tpu.memory_space<semaphore_mem>>
      %dma_start3A = tpu.memref_slice %arg4[%mul3A_47] : memref<4096xf32, #tpu.memory_space<hbm>> -> memref<128xf32, #tpu.memory_space<hbm>>
      %dma_start3A_48 = tpu.memref_slice %arg4[%mul3A_47] : memref<4096xf32, #tpu.memory_space<hbm>> -> memref<128xf32, #tpu.memory_space<hbm>>
      tpu.enqueue_dma source(%arg7 : memref<128xf32, #tpu.memory_space<vmem>>) target(%dma_start3A_48 : memref<128xf32, #tpu.memory_space<hbm>>) target_semaphore(%run_scoped3A : memref<!tpu.dma_semaphore, #tpu.memory_space<semaphore_mem>>)
      %dma_wait3A = tpu.memref_slice %arg4[%mul3A_47] : memref<4096xf32, #tpu.memory_space<hbm>> -> memref<128xf32, #tpu.memory_space<hbm>>
      %dma_wait3A_49 = tpu.memref_slice %arg4[%mul3A_47] : memref<4096xf32, #tpu.memory_space<hbm>> -> memref<128xf32, #tpu.memory_space<hbm>>
      tpu.wait_dma2 semaphore(%run_scoped3A : memref<!tpu.dma_semaphore, #tpu.memory_space<semaphore_mem>>) src(%arg7 : memref<128xf32, #tpu.memory_space<vmem>>) dst(%dma_wait3A_49 : memref<128xf32, #tpu.memory_space<hbm>>)
      tpu.yield
    }) : () -> ()
    return
  }
}

module attributes {stable_mosaic.version = 14 : i64} {
  func.func @_loss_body(%arg0: i32, %arg1: memref<32x128xf32, #tpu.memory_space<vmem>>, %arg2: memref<512x1024xf32, #tpu.memory_space<vmem>>, %arg3: memref<512x1024xf32, #tpu.memory_space<vmem>>, %arg4: memref<1xf32, #tpu.memory_space<smem>>, %arg5: memref<2xf32, #tpu.memory_space<smem>>) attributes {dimension_semantics = [#tpu.dimension_semantics<arbitrary>], iteration_bounds = array<i64: 8>, scalar_prefetch = 0 : i64, scratch_operands = 1 : i64, tpu.core_type = #tpu.core_type<tc>, window_params = [{pipeline_mode = #tpu.pipeline_mode<synchronous>, transform_indices = @transform_0, window_bounds = array<i64: 32, 128>}, {transform_indices = @transform_1, window_bounds = array<i64: 512, 1024>}, {transform_indices = @transform_2, window_bounds = array<i64: 512, 1024>}, {transform_indices = @transform_3, window_bounds = array<i64: 1>}]} {
    %get3A = arith.constant 0 : index
    %get3A_0 = arith.constant 0 : index
    %get3A_1 = vector.load %arg1[%get3A, %get3A_0] : memref<32x128xf32, #tpu.memory_space<vmem>>, vector<32x128xf32>
    %slice3A = vector.extract_strided_slice %get3A_1 {offsets = [0, 0], sizes = [32, 16], strides = [1, 1]} : vector<32x128xf32> to vector<32x16xf32>
    %reduce_sum3A = vector.shape_cast %slice3A : vector<32x16xf32> to vector<1x32x16xf32>
    %reduce_sum3A_2 = arith.constant dense<0.000000e+00> : vector<1xf32>
    %reduce_sum3A_3 = vector.multi_reduction <add>, %reduce_sum3A, %reduce_sum3A_2 [1, 2] : vector<1x32x16xf32> to vector<1xf32>
    %reduce_sum3A_4 = vector.shape_cast %reduce_sum3A_3 : vector<1xf32> to vector<1x1x1xf32>
    %reduce_sum3A_5 = vector.extract %reduce_sum3A_4[0, 0, 0] : f32 from vector<1x1x1xf32>
    %slice3A_6 = vector.extract_strided_slice %get3A_1 {offsets = [0, 16], sizes = [32, 16], strides = [1, 1]} : vector<32x128xf32> to vector<32x16xf32>
    %reduce_sum3A_7 = vector.shape_cast %slice3A_6 : vector<32x16xf32> to vector<1x32x16xf32>
    %reduce_sum3A_8 = arith.constant dense<0.000000e+00> : vector<1xf32>
    %reduce_sum3A_9 = vector.multi_reduction <add>, %reduce_sum3A_7, %reduce_sum3A_8 [1, 2] : vector<1x32x16xf32> to vector<1xf32>
    %reduce_sum3A_10 = vector.shape_cast %reduce_sum3A_9 : vector<1xf32> to vector<1x1x1xf32>
    %reduce_sum3A_11 = vector.extract %reduce_sum3A_10[0, 0, 0] : f32 from vector<1x1x1xf32>
    %slice3A_12 = vector.extract_strided_slice %get3A_1 {offsets = [0, 32], sizes = [32, 16], strides = [1, 1]} : vector<32x128xf32> to vector<32x16xf32>
    %reduce_max3A = vector.shape_cast %slice3A_12 : vector<32x16xf32> to vector<1x32x16xf32>
    %reduce_max3A_13 = arith.constant dense<0xFF800000> : vector<1xf32>
    %reduce_max3A_14 = vector.multi_reduction <maximumf>, %reduce_max3A, %reduce_max3A_13 [1, 2] : vector<1x32x16xf32> to vector<1xf32>
    %reduce_max3A_15 = vector.shape_cast %reduce_max3A_14 : vector<1xf32> to vector<1x1x1xf32>
    %reduce_max3A_16 = vector.extract %reduce_max3A_15[0, 0, 0] : f32 from vector<1x1x1xf32>
    %slice3A_17 = vector.extract_strided_slice %get3A_1 {offsets = [0, 48], sizes = [32, 16], strides = [1, 1]} : vector<32x128xf32> to vector<32x16xf32>
    %reduce_sum3A_18 = vector.shape_cast %slice3A_17 : vector<32x16xf32> to vector<1x32x16xf32>
    %reduce_sum3A_19 = arith.constant dense<0.000000e+00> : vector<1xf32>
    %reduce_sum3A_20 = vector.multi_reduction <add>, %reduce_sum3A_18, %reduce_sum3A_19 [1, 2] : vector<1x32x16xf32> to vector<1xf32>
    %reduce_sum3A_21 = vector.shape_cast %reduce_sum3A_20 : vector<1xf32> to vector<1x1x1xf32>
    %reduce_sum3A_22 = vector.extract %reduce_sum3A_21[0, 0, 0] : f32 from vector<1x1x1xf32>
    %slice3A_23 = vector.extract_strided_slice %get3A_1 {offsets = [0, 64], sizes = [32, 16], strides = [1, 1]} : vector<32x128xf32> to vector<32x16xf32>
    %reduce_sum3A_24 = vector.shape_cast %slice3A_23 : vector<32x16xf32> to vector<1x32x16xf32>
    %reduce_sum3A_25 = arith.constant dense<0.000000e+00> : vector<1xf32>
    %reduce_sum3A_26 = vector.multi_reduction <add>, %reduce_sum3A_24, %reduce_sum3A_25 [1, 2] : vector<1x32x16xf32> to vector<1xf32>
    %reduce_sum3A_27 = vector.shape_cast %reduce_sum3A_26 : vector<1xf32> to vector<1x1x1xf32>
    %reduce_sum3A_28 = vector.extract %reduce_sum3A_27[0, 0, 0] : f32 from vector<1x1x1xf32>
    %slice3A_29 = vector.extract_strided_slice %get3A_1 {offsets = [0, 80], sizes = [32, 16], strides = [1, 1]} : vector<32x128xf32> to vector<32x16xf32>
    %reduce_max3A_30 = vector.shape_cast %slice3A_29 : vector<32x16xf32> to vector<1x32x16xf32>
    %reduce_max3A_31 = arith.constant dense<0xFF800000> : vector<1xf32>
    %reduce_max3A_32 = vector.multi_reduction <maximumf>, %reduce_max3A_30, %reduce_max3A_31 [1, 2] : vector<1x32x16xf32> to vector<1xf32>
    %reduce_max3A_33 = vector.shape_cast %reduce_max3A_32 : vector<1xf32> to vector<1x1x1xf32>
    %reduce_max3A_34 = vector.extract %reduce_max3A_33[0, 0, 0] : f32 from vector<1x1x1xf32>
    %slice3A_35 = vector.extract_strided_slice %get3A_1 {offsets = [0, 96], sizes = [32, 16], strides = [1, 1]} : vector<32x128xf32> to vector<32x16xf32>
    %reduce_min3A = vector.shape_cast %slice3A_35 : vector<32x16xf32> to vector<1x32x16xf32>
    %reduce_min3A_36 = arith.constant dense<0x7F800000> : vector<1xf32>
    %reduce_min3A_37 = vector.multi_reduction <minimumf>, %reduce_min3A, %reduce_min3A_36 [1, 2] : vector<1x32x16xf32> to vector<1xf32>
    %reduce_min3A_38 = vector.shape_cast %reduce_min3A_37 : vector<1xf32> to vector<1x1x1xf32>
    %reduce_min3A_39 = vector.extract %reduce_min3A_38[0, 0, 0] : f32 from vector<1x1x1xf32>
    %div3A = arith.constant 0x4A800000 : f32
    %div3A_40 = arith.divf %reduce_sum3A_5, %div3A : f32
    %mul3A = arith.constant 0x4A800000 : f32
    %mul3A_41 = arith.mulf %mul3A, %div3A_40 : f32
    %mul3A_42 = arith.mulf %mul3A_41, %div3A_40 : f32
    %sub3A = arith.subf %reduce_sum3A_11, %mul3A_42 : f32
    %sub3A_43 = arith.constant 0x4A800000 : f32
    %sub3A_44 = arith.constant 1.000000e+00 : f32
    %sub3A_45 = arith.subf %sub3A_43, %sub3A_44 : f32
    %div3A_46 = arith.divf %sub3A, %sub3A_45 : f32
    %sqrt3A = math.sqrt %div3A_46 : f32
    %mul3A_47 = arith.constant 1.000000e-01 : f32
    %mul3A_48 = arith.mulf %mul3A_47, %reduce_max3A_16 : f32
    %div3A_49 = arith.constant 0x4A800000 : f32
    %div3A_50 = arith.divf %reduce_sum3A_22, %div3A_49 : f32
    %mul3A_51 = arith.constant 0x4A800000 : f32
    %mul3A_52 = arith.mulf %mul3A_51, %div3A_50 : f32
    %mul3A_53 = arith.mulf %mul3A_52, %div3A_50 : f32
    %sub3A_54 = arith.subf %reduce_sum3A_28, %mul3A_53 : f32
    %sub3A_55 = arith.constant 0x4A800000 : f32
    %sub3A_56 = arith.constant 1.000000e+00 : f32
    %sub3A_57 = arith.subf %sub3A_55, %sub3A_56 : f32
    %div3A_58 = arith.divf %sub3A_54, %sub3A_57 : f32
    %sqrt3A_59 = math.sqrt %div3A_58 : f32
    %div3A_60 = arith.constant 0.707106769 : f32
    %div3A_61 = arith.divf %div3A_60, %sqrt3A : f32
    %div3A_62 = arith.constant 0.707106769 : f32
    %div3A_63 = arith.divf %div3A_62, %sqrt3A_59 : f32
    %get3A_64 = arith.constant 0 : index
    %get3A_65 = arith.constant 0 : index
    %get3A_66 = vector.load %arg2[%get3A_64, %get3A_65] : memref<512x1024xf32, #tpu.memory_space<vmem>>, vector<512x1024xf32>
    %get3A_67 = arith.constant 0 : index
    %get3A_68 = arith.constant 0 : index
    %get3A_69 = vector.load %arg3[%get3A_67, %get3A_68] : memref<512x1024xf32, #tpu.memory_space<vmem>>, vector<512x1024xf32>
    %sub3A_70 = arith.subf %get3A_66, %get3A_69 : vector<512x1024xf32>
    %abs3A = math.absf %sub3A_70 : vector<512x1024xf32>
    %lt3A = vector.broadcast %mul3A_48 : f32 to vector<512x1024xf32>
    %lt3A_71 = arith.cmpf olt, %abs3A, %lt3A : vector<512x1024xf32>
    %mul3A_72 = arith.constant 5.000000e-01 : f32
    %mul3A_73 = vector.broadcast %mul3A_72 : f32 to vector<512x1024xf32>
    %mul3A_74 = arith.mulf %mul3A_73, %sub3A_70 : vector<512x1024xf32>
    %mul3A_75 = arith.mulf %mul3A_74, %sub3A_70 : vector<512x1024xf32>
    %div3A_76 = vector.broadcast %mul3A_48 : f32 to vector<512x1024xf32>
    %div3A_77 = arith.divf %mul3A_75, %div3A_76 : vector<512x1024xf32>
    %mul3A_78 = arith.constant 5.000000e-01 : f32
    %mul3A_79 = arith.mulf %mul3A_78, %mul3A_48 : f32
    %sub3A_80 = vector.broadcast %mul3A_79 : f32 to vector<512x1024xf32>
    %sub3A_81 = arith.subf %abs3A, %sub3A_80 : vector<512x1024xf32>
    %select_n3A = arith.select %lt3A_71, %div3A_77, %sub3A_81 : vector<512x1024xi1>, vector<512x1024xf32>
    %sub3A_82 = vector.broadcast %div3A_40 : f32 to vector<512x1024xf32>
    %sub3A_83 = arith.subf %get3A_69, %sub3A_82 : vector<512x1024xf32>
    %mul3A_84 = vector.broadcast %div3A_61 : f32 to vector<512x1024xf32>
    %mul3A_85 = arith.mulf %sub3A_83, %mul3A_84 : vector<512x1024xf32>
    %sign3A = tpu.bitcast %mul3A_85 : vector<512x1024xf32> -> vector<512x1024xi32>
    %sign3A_86 = arith.constant -2147483648 : i32
    %sign3A_87 = vector.broadcast %sign3A_86 : i32 to vector<512x1024xi32>
    %sign3A_88 = arith.andi %sign3A, %sign3A_87 : vector<512x1024xi32>
    %sign3A_89 = arith.constant 1065353216 : i32
    %sign3A_90 = vector.broadcast %sign3A_89 : i32 to vector<512x1024xi32>
    %sign3A_91 = arith.ori %sign3A_90, %sign3A_88 : vector<512x1024xi32>
    %sign3A_92 = tpu.bitcast %sign3A_91 : vector<512x1024xi32> -> vector<512x1024xf32>
    %sign3A_93 = math.absf %mul3A_85 : vector<512x1024xf32>
    %sign3A_94 = arith.constant 0.000000e+00 : f32
    %sign3A_95 = vector.broadcast %sign3A_94 : f32 to vector<512x1024xf32>
    %sign3A_96 = arith.cmpf ogt, %sign3A_93, %sign3A_95 : vector<512x1024xf32>
    %sign3A_97 = arith.select %sign3A_96, %sign3A_92, %mul3A_85 : vector<512x1024xi1>, vector<512x1024xf32>
    %abs3A_98 = math.absf %mul3A_85 : vector<512x1024xf32>
    %mul3A_99 = arith.constant 0.327591091 : f32
    %mul3A_100 = vector.broadcast %mul3A_99 : f32 to vector<512x1024xf32>
    %mul3A_101 = arith.mulf %mul3A_100, %abs3A_98 : vector<512x1024xf32>
    %add3A = arith.constant 1.000000e+00 : f32
    %add3A_102 = vector.broadcast %add3A : f32 to vector<512x1024xf32>
    %add3A_103 = arith.addf %add3A_102, %mul3A_101 : vector<512x1024xf32>
    %div3A_104 = arith.constant 1.000000e+00 : f32
    %div3A_105 = vector.broadcast %div3A_104 : f32 to vector<512x1024xf32>
    %div3A_106 = arith.divf %div3A_105, %add3A_103 : vector<512x1024xf32>
    %mul3A_107 = arith.constant 1.06140542 : f32
    %mul3A_108 = vector.broadcast %mul3A_107 : f32 to vector<512x1024xf32>
    %mul3A_109 = arith.mulf %div3A_106, %mul3A_108 : vector<512x1024xf32>
    %add3A_110 = arith.constant -1.45315206 : f32
    %add3A_111 = vector.broadcast %add3A_110 : f32 to vector<512x1024xf32>
    %add3A_112 = arith.addf %add3A_111, %mul3A_109 : vector<512x1024xf32>
    %mul3A_113 = arith.mulf %div3A_106, %add3A_112 : vector<512x1024xf32>
    %add3A_114 = arith.constant 1.42141378 : f32
    %add3A_115 = vector.broadcast %add3A_114 : f32 to vector<512x1024xf32>
    %add3A_116 = arith.addf %add3A_115, %mul3A_113 : vector<512x1024xf32>
    %mul3A_117 = arith.mulf %div3A_106, %add3A_116 : vector<512x1024xf32>
    %add3A_118 = arith.constant -0.284496725 : f32
    %add3A_119 = vector.broadcast %add3A_118 : f32 to vector<512x1024xf32>
    %add3A_120 = arith.addf %add3A_119, %mul3A_117 : vector<512x1024xf32>
    %mul3A_121 = arith.mulf %div3A_106, %add3A_120 : vector<512x1024xf32>
    %add3A_122 = arith.constant 0.254829586 : f32
    %add3A_123 = vector.broadcast %add3A_122 : f32 to vector<512x1024xf32>
    %add3A_124 = arith.addf %add3A_123, %mul3A_121 : vector<512x1024xf32>
    %mul3A_125 = arith.mulf %div3A_106, %add3A_124 : vector<512x1024xf32>
    %neg3A = arith.constant 0.000000e+00 : f32
    %neg3A_126 = vector.broadcast %neg3A : f32 to vector<512x1024xf32>
    %neg3A_127 = arith.subf %neg3A_126, %abs3A_98 : vector<512x1024xf32>
    %mul3A_128 = arith.mulf %neg3A_127, %abs3A_98 : vector<512x1024xf32>
    %exp3A = math.exp %mul3A_128 : vector<512x1024xf32>
    %mul3A_129 = arith.mulf %mul3A_125, %exp3A : vector<512x1024xf32>
    %sub3A_130 = arith.constant 1.000000e+00 : f32
    %sub3A_131 = vector.broadcast %sub3A_130 : f32 to vector<512x1024xf32>
    %sub3A_132 = arith.subf %sub3A_131, %mul3A_129 : vector<512x1024xf32>
    %mul3A_133 = arith.mulf %sign3A_97, %sub3A_132 : vector<512x1024xf32>
    %add3A_134 = arith.constant 1.000000e+00 : f32
    %add3A_135 = vector.broadcast %add3A_134 : f32 to vector<512x1024xf32>
    %add3A_136 = arith.addf %add3A_135, %mul3A_133 : vector<512x1024xf32>
    %mul3A_137 = arith.constant 5.000000e-01 : f32
    %mul3A_138 = vector.broadcast %mul3A_137 : f32 to vector<512x1024xf32>
    %mul3A_139 = arith.mulf %mul3A_138, %add3A_136 : vector<512x1024xf32>
    %sub3A_140 = vector.broadcast %div3A_50 : f32 to vector<512x1024xf32>
    %sub3A_141 = arith.subf %get3A_69, %sub3A_140 : vector<512x1024xf32>
    %mul3A_142 = vector.broadcast %div3A_63 : f32 to vector<512x1024xf32>
    %mul3A_143 = arith.mulf %sub3A_141, %mul3A_142 : vector<512x1024xf32>
    %sign3A_144 = tpu.bitcast %mul3A_143 : vector<512x1024xf32> -> vector<512x1024xi32>
    %sign3A_145 = arith.constant -2147483648 : i32
    %sign3A_146 = vector.broadcast %sign3A_145 : i32 to vector<512x1024xi32>
    %sign3A_147 = arith.andi %sign3A_144, %sign3A_146 : vector<512x1024xi32>
    %sign3A_148 = arith.constant 1065353216 : i32
    %sign3A_149 = vector.broadcast %sign3A_148 : i32 to vector<512x1024xi32>
    %sign3A_150 = arith.ori %sign3A_149, %sign3A_147 : vector<512x1024xi32>
    %sign3A_151 = tpu.bitcast %sign3A_150 : vector<512x1024xi32> -> vector<512x1024xf32>
    %sign3A_152 = math.absf %mul3A_143 : vector<512x1024xf32>
    %sign3A_153 = arith.constant 0.000000e+00 : f32
    %sign3A_154 = vector.broadcast %sign3A_153 : f32 to vector<512x1024xf32>
    %sign3A_155 = arith.cmpf ogt, %sign3A_152, %sign3A_154 : vector<512x1024xf32>
    %sign3A_156 = arith.select %sign3A_155, %sign3A_151, %mul3A_143 : vector<512x1024xi1>, vector<512x1024xf32>
    %abs3A_157 = math.absf %mul3A_143 : vector<512x1024xf32>
    %mul3A_158 = arith.constant 0.327591091 : f32
    %mul3A_159 = vector.broadcast %mul3A_158 : f32 to vector<512x1024xf32>
    %mul3A_160 = arith.mulf %mul3A_159, %abs3A_157 : vector<512x1024xf32>
    %add3A_161 = arith.constant 1.000000e+00 : f32
    %add3A_162 = vector.broadcast %add3A_161 : f32 to vector<512x1024xf32>
    %add3A_163 = arith.addf %add3A_162, %mul3A_160 : vector<512x1024xf32>
    %div3A_164 = arith.constant 1.000000e+00 : f32
    %div3A_165 = vector.broadcast %div3A_164 : f32 to vector<512x1024xf32>
    %div3A_166 = arith.divf %div3A_165, %add3A_163 : vector<512x1024xf32>
    %mul3A_167 = arith.constant 1.06140542 : f32
    %mul3A_168 = vector.broadcast %mul3A_167 : f32 to vector<512x1024xf32>
    %mul3A_169 = arith.mulf %div3A_166, %mul3A_168 : vector<512x1024xf32>
    %add3A_170 = arith.constant -1.45315206 : f32
    %add3A_171 = vector.broadcast %add3A_170 : f32 to vector<512x1024xf32>
    %add3A_172 = arith.addf %add3A_171, %mul3A_169 : vector<512x1024xf32>
    %mul3A_173 = arith.mulf %div3A_166, %add3A_172 : vector<512x1024xf32>
    %add3A_174 = arith.constant 1.42141378 : f32
    %add3A_175 = vector.broadcast %add3A_174 : f32 to vector<512x1024xf32>
    %add3A_176 = arith.addf %add3A_175, %mul3A_173 : vector<512x1024xf32>
    %mul3A_177 = arith.mulf %div3A_166, %add3A_176 : vector<512x1024xf32>
    %add3A_178 = arith.constant -0.284496725 : f32
    %add3A_179 = vector.broadcast %add3A_178 : f32 to vector<512x1024xf32>
    %add3A_180 = arith.addf %add3A_179, %mul3A_177 : vector<512x1024xf32>
    %mul3A_181 = arith.mulf %div3A_166, %add3A_180 : vector<512x1024xf32>
    %add3A_182 = arith.constant 0.254829586 : f32
    %add3A_183 = vector.broadcast %add3A_182 : f32 to vector<512x1024xf32>
    %add3A_184 = arith.addf %add3A_183, %mul3A_181 : vector<512x1024xf32>
    %mul3A_185 = arith.mulf %div3A_166, %add3A_184 : vector<512x1024xf32>
    %neg3A_186 = arith.constant 0.000000e+00 : f32
    %neg3A_187 = vector.broadcast %neg3A_186 : f32 to vector<512x1024xf32>
    %neg3A_188 = arith.subf %neg3A_187, %abs3A_157 : vector<512x1024xf32>
    %mul3A_189 = arith.mulf %neg3A_188, %abs3A_157 : vector<512x1024xf32>
    %exp3A_190 = math.exp %mul3A_189 : vector<512x1024xf32>
    %mul3A_191 = arith.mulf %mul3A_185, %exp3A_190 : vector<512x1024xf32>
    %sub3A_192 = arith.constant 1.000000e+00 : f32
    %sub3A_193 = vector.broadcast %sub3A_192 : f32 to vector<512x1024xf32>
    %sub3A_194 = arith.subf %sub3A_193, %mul3A_191 : vector<512x1024xf32>
    %mul3A_195 = arith.mulf %sign3A_156, %sub3A_194 : vector<512x1024xf32>
    %add3A_196 = arith.constant 1.000000e+00 : f32
    %add3A_197 = vector.broadcast %add3A_196 : f32 to vector<512x1024xf32>
    %add3A_198 = arith.addf %add3A_197, %mul3A_195 : vector<512x1024xf32>
    %mul3A_199 = arith.constant 5.000000e-01 : f32
    %mul3A_200 = vector.broadcast %mul3A_199 : f32 to vector<512x1024xf32>
    %mul3A_201 = arith.mulf %mul3A_200, %add3A_198 : vector<512x1024xf32>
    %sub3A_202 = arith.subf %reduce_min3A_39, %div3A_50 : f32
    %mul3A_203 = arith.mulf %sub3A_202, %div3A_63 : f32
    %sign3A_204 = arith.bitcast %mul3A_203 : f32 to i32
    %sign3A_205 = arith.constant -2147483648 : i32
    %sign3A_206 = arith.andi %sign3A_204, %sign3A_205 : i32
    %sign3A_207 = arith.constant 1065353216 : i32
    %sign3A_208 = arith.ori %sign3A_207, %sign3A_206 : i32
    %sign3A_209 = arith.bitcast %sign3A_208 : i32 to f32
    %sign3A_210 = math.absf %mul3A_203 : f32
    %sign3A_211 = arith.constant 0.000000e+00 : f32
    %sign3A_212 = arith.cmpf ogt, %sign3A_210, %sign3A_211 : f32
    %sign3A_213 = arith.select %sign3A_212, %sign3A_209, %mul3A_203 : f32
    %abs3A_214 = math.absf %mul3A_203 : f32
    %mul3A_215 = arith.constant 0.327591091 : f32
    %mul3A_216 = arith.mulf %mul3A_215, %abs3A_214 : f32
    %add3A_217 = arith.constant 1.000000e+00 : f32
    %add3A_218 = arith.addf %add3A_217, %mul3A_216 : f32
    %div3A_219 = arith.constant 1.000000e+00 : f32
    %div3A_220 = arith.divf %div3A_219, %add3A_218 : f32
    %mul3A_221 = arith.constant 1.06140542 : f32
    %mul3A_222 = arith.mulf %div3A_220, %mul3A_221 : f32
    %add3A_223 = arith.constant -1.45315206 : f32
    %add3A_224 = arith.addf %add3A_223, %mul3A_222 : f32
    %mul3A_225 = arith.mulf %div3A_220, %add3A_224 : f32
    %add3A_226 = arith.constant 1.42141378 : f32
    %add3A_227 = arith.addf %add3A_226, %mul3A_225 : f32
    %mul3A_228 = arith.mulf %div3A_220, %add3A_227 : f32
    %add3A_229 = arith.constant -0.284496725 : f32
    %add3A_230 = arith.addf %add3A_229, %mul3A_228 : f32
    %mul3A_231 = arith.mulf %div3A_220, %add3A_230 : f32
    %add3A_232 = arith.constant 0.254829586 : f32
    %add3A_233 = arith.addf %add3A_232, %mul3A_231 : f32
    %mul3A_234 = arith.mulf %div3A_220, %add3A_233 : f32
    %neg3A_235 = arith.constant 0.000000e+00 : f32
    %neg3A_236 = arith.subf %neg3A_235, %abs3A_214 : f32
    %mul3A_237 = arith.mulf %neg3A_236, %abs3A_214 : f32
    %exp3A_238 = math.exp %mul3A_237 : f32
    %mul3A_239 = arith.mulf %mul3A_234, %exp3A_238 : f32
    %sub3A_240 = arith.constant 1.000000e+00 : f32
    %sub3A_241 = arith.subf %sub3A_240, %mul3A_239 : f32
    %mul3A_242 = arith.mulf %sign3A_213, %sub3A_241 : f32
    %add3A_243 = arith.constant 1.000000e+00 : f32
    %add3A_244 = arith.addf %add3A_243, %mul3A_242 : f32
    %mul3A_245 = arith.constant 5.000000e-01 : f32
    %mul3A_246 = arith.mulf %mul3A_245, %add3A_244 : f32
    %sub3A_247 = arith.subf %reduce_max3A_34, %div3A_50 : f32
    %mul3A_248 = arith.mulf %sub3A_247, %div3A_63 : f32
    %sign3A_249 = arith.bitcast %mul3A_248 : f32 to i32
    %sign3A_250 = arith.constant -2147483648 : i32
    %sign3A_251 = arith.andi %sign3A_249, %sign3A_250 : i32
    %sign3A_252 = arith.constant 1065353216 : i32
    %sign3A_253 = arith.ori %sign3A_252, %sign3A_251 : i32
    %sign3A_254 = arith.bitcast %sign3A_253 : i32 to f32
    %sign3A_255 = math.absf %mul3A_248 : f32
    %sign3A_256 = arith.constant 0.000000e+00 : f32
    %sign3A_257 = arith.cmpf ogt, %sign3A_255, %sign3A_256 : f32
    %sign3A_258 = arith.select %sign3A_257, %sign3A_254, %mul3A_248 : f32
    %abs3A_259 = math.absf %mul3A_248 : f32
    %mul3A_260 = arith.constant 0.327591091 : f32
    %mul3A_261 = arith.mulf %mul3A_260, %abs3A_259 : f32
    %add3A_262 = arith.constant 1.000000e+00 : f32
    %add3A_263 = arith.addf %add3A_262, %mul3A_261 : f32
    %div3A_264 = arith.constant 1.000000e+00 : f32
    %div3A_265 = arith.divf %div3A_264, %add3A_263 : f32
    %mul3A_266 = arith.constant 1.06140542 : f32
    %mul3A_267 = arith.mulf %div3A_265, %mul3A_266 : f32
    %add3A_268 = arith.constant -1.45315206 : f32
    %add3A_269 = arith.addf %add3A_268, %mul3A_267 : f32
    %mul3A_270 = arith.mulf %div3A_265, %add3A_269 : f32
    %add3A_271 = arith.constant 1.42141378 : f32
    %add3A_272 = arith.addf %add3A_271, %mul3A_270 : f32
    %mul3A_273 = arith.mulf %div3A_265, %add3A_272 : f32
    %add3A_274 = arith.constant -0.284496725 : f32
    %add3A_275 = arith.addf %add3A_274, %mul3A_273 : f32
    %mul3A_276 = arith.mulf %div3A_265, %add3A_275 : f32
    %add3A_277 = arith.constant 0.254829586 : f32
    %add3A_278 = arith.addf %add3A_277, %mul3A_276 : f32
    %mul3A_279 = arith.mulf %div3A_265, %add3A_278 : f32
    %neg3A_280 = arith.constant 0.000000e+00 : f32
    %neg3A_281 = arith.subf %neg3A_280, %abs3A_259 : f32
    %mul3A_282 = arith.mulf %neg3A_281, %abs3A_259 : f32
    %exp3A_283 = math.exp %mul3A_282 : f32
    %mul3A_284 = arith.mulf %mul3A_279, %exp3A_283 : f32
    %sub3A_285 = arith.constant 1.000000e+00 : f32
    %sub3A_286 = arith.subf %sub3A_285, %mul3A_284 : f32
    %mul3A_287 = arith.mulf %sign3A_258, %sub3A_286 : f32
    %add3A_288 = arith.constant 1.000000e+00 : f32
    %add3A_289 = arith.addf %add3A_288, %mul3A_287 : f32
    %mul3A_290 = arith.constant 5.000000e-01 : f32
    %mul3A_291 = arith.mulf %mul3A_290, %add3A_289 : f32
    %max3A = vector.broadcast %mul3A_246 : f32 to vector<512x1024xf32>
    %max3A_292 = arith.maximumf %max3A, %mul3A_201 : vector<512x1024xf32>
    %min3A = vector.broadcast %mul3A_291 : f32 to vector<512x1024xf32>
    %min3A_293 = arith.minimumf %min3A, %max3A_292 : vector<512x1024xf32>
    %sub3A_294 = arith.subf %mul3A_139, %min3A_293 : vector<512x1024xf32>
    %abs3A_295 = math.absf %sub3A_294 : vector<512x1024xf32>
    %eq3A = arith.constant 0 : i32
    %eq3A_296 = arith.cmpi eq, %arg0, %eq3A : i32
    %convert_element_type3A = arith.extui %eq3A_296 : i1 to i32
    %cond3A = arith.constant 0 : i32
    %cond3A_297 = arith.cmpi ne, %convert_element_type3A, %cond3A : i32
    scf.if %cond3A_297 {
      %swap3A_323 = arith.constant 0.000000e+00 : f32
      %swap3A_324 = arith.constant 0 : index
      %swap3A_325 = memref.load %arg5[%swap3A_324] : memref<2xf32, #tpu.memory_space<smem>>
      memref.store %swap3A_323, %arg5[%swap3A_324] : memref<2xf32, #tpu.memory_space<smem>>
      %swap3A_326 = arith.constant 0xFF800000 : f32
      %swap3A_327 = arith.constant 1 : index
      %swap3A_328 = memref.load %arg5[%swap3A_327] : memref<2xf32, #tpu.memory_space<smem>>
      memref.store %swap3A_326, %arg5[%swap3A_327] : memref<2xf32, #tpu.memory_space<smem>>
    } else {
    }
    %get3A_298 = arith.constant 0 : index
    %get3A_299 = memref.load %arg5[%get3A_298] : memref<2xf32, #tpu.memory_space<smem>>
    %reduce_sum3A_300 = vector.shape_cast %select_n3A : vector<512x1024xf32> to vector<1x512x1024xf32>
    %reduce_sum3A_301 = arith.constant dense<0.000000e+00> : vector<1xf32>
    %reduce_sum3A_302 = vector.multi_reduction <add>, %reduce_sum3A_300, %reduce_sum3A_301 [1, 2] : vector<1x512x1024xf32> to vector<1xf32>
    %reduce_sum3A_303 = vector.shape_cast %reduce_sum3A_302 : vector<1xf32> to vector<1x1x1xf32>
    %reduce_sum3A_304 = vector.extract %reduce_sum3A_303[0, 0, 0] : f32 from vector<1x1x1xf32>
    %add3A_305 = arith.addf %get3A_299, %reduce_sum3A_304 : f32
    %swap3A = arith.constant 0 : index
    %swap3A_306 = memref.load %arg5[%swap3A] : memref<2xf32, #tpu.memory_space<smem>>
    memref.store %add3A_305, %arg5[%swap3A] : memref<2xf32, #tpu.memory_space<smem>>
    %get3A_307 = arith.constant 1 : index
    %get3A_308 = memref.load %arg5[%get3A_307] : memref<2xf32, #tpu.memory_space<smem>>
    %reduce_max3A_309 = vector.shape_cast %abs3A_295 : vector<512x1024xf32> to vector<1x512x1024xf32>
    %reduce_max3A_310 = arith.constant dense<0xFF800000> : vector<1xf32>
    %reduce_max3A_311 = vector.multi_reduction <maximumf>, %reduce_max3A_309, %reduce_max3A_310 [1, 2] : vector<1x512x1024xf32> to vector<1xf32>
    %reduce_max3A_312 = vector.shape_cast %reduce_max3A_311 : vector<1xf32> to vector<1x1x1xf32>
    %reduce_max3A_313 = vector.extract %reduce_max3A_312[0, 0, 0] : f32 from vector<1x1x1xf32>
    %max3A_314 = arith.maximumf %get3A_308, %reduce_max3A_313 : f32
    %swap3A_315 = arith.constant 1 : index
    %swap3A_316 = memref.load %arg5[%swap3A_315] : memref<2xf32, #tpu.memory_space<smem>>
    memref.store %max3A_314, %arg5[%swap3A_315] : memref<2xf32, #tpu.memory_space<smem>>
    %eq3A_317 = arith.constant 7 : i32
    %eq3A_318 = arith.cmpi eq, %arg0, %eq3A_317 : i32
    %convert_element_type3A_319 = arith.extui %eq3A_318 : i1 to i32
    %cond3A_320 = arith.constant 0x4A800000 : f32
    %cond3A_321 = arith.constant 0 : i32
    %cond3A_322 = arith.cmpi ne, %convert_element_type3A_319, %cond3A_321 : i32
    scf.if %cond3A_322 {
      %get3A_323 = arith.constant 0 : index
      %get3A_324 = memref.load %arg5[%get3A_323] : memref<2xf32, #tpu.memory_space<smem>>
      %div3A_325 = arith.divf %get3A_324, %cond3A_320 : f32
      %mul3A_326 = arith.constant 5.000000e-01 : f32
      %mul3A_327 = arith.mulf %mul3A_326, %div3A_325 : f32
      %get3A_328 = arith.constant 1 : index
      %get3A_329 = memref.load %arg5[%get3A_328] : memref<2xf32, #tpu.memory_space<smem>>
      %mul3A_330 = arith.constant 5.000000e-01 : f32
      %mul3A_331 = arith.mulf %mul3A_330, %get3A_329 : f32
      %add3A_332 = arith.addf %mul3A_327, %mul3A_331 : f32
      %swap3A_333 = arith.constant 0 : index
      %swap3A_334 = memref.load %arg4[%swap3A_333] : memref<1xf32, #tpu.memory_space<smem>>
      memref.store %add3A_332, %arg4[%swap3A_333] : memref<1xf32, #tpu.memory_space<smem>>
    } else {
    }
    return
  }
  func.func @transform_0(%arg0: i32) -> (i32, i32) {
    %c0_i32 = arith.constant 0 : i32
    %c0_i32_0 = arith.constant 0 : i32
    %c0_i32_1 = arith.constant 0 : i32
    return %c0_i32, %c0_i32_0 : i32, i32
  }
  func.func @transform_1(%arg0: i32) -> (i32, i32) {
    %c0_i32 = arith.constant 0 : i32
    %c0_i32_0 = arith.constant 0 : i32
    return %arg0, %c0_i32 : i32, i32
  }
  func.func @transform_2(%arg0: i32) -> (i32, i32) {
    %c0_i32 = arith.constant 0 : i32
    %c0_i32_0 = arith.constant 0 : i32
    return %arg0, %c0_i32 : i32, i32
  }
  func.func @transform_3(%arg0: i32) -> i32 {
    %c0_i32 = arith.constant 0 : i32
    %c0_i32_0 = arith.constant 0 : i32
    return %c0_i32 : i32
  }
}

</mosaic_0001>

<sc_bundles>
// kernel: _loss.4.cloned.1.call-start
scs
__scs_entry_jumppad:
0x0: {  	(pc) =	sbr.rel $0x88, $3  }
0x1: {  	(tag) =	ssettag $0x0;
	lr =	simm.s32 $0x1  }
0x2: {  	[smem:$0x3F9F] =	sst lr;
	_ =	strace $0xD0000000  }
0x3: {  	_ = 	snop  }
0x4: {  	_ = 	snop  }
0x5: {  	_ = 	snop  }
0x6: {  	_ = 	snop  }
0x7: {  	_ = 	snop  }
__scs_overlays_trampoline_lowered:
0x8: {  	[smem:$0x3FAE] =	sst s0  }
0x9: {  	[smem:$0x3FAF] =	sst s1  }
0xa: {  	[smem:$0x3FB0] =	sst s2  }
0xb: {  	[smem:$0x3FB1] =	sst s3  }
0xc: {  	[smem:$0x3FB2] =	sst s4  }
0xd: {  	[smem:$0x3FB3] =	sst s5  }
0xe: {  	[smem:$0x3FB4] =	sst s6  }
0xf: {  	[smem:$0x3FB5] =	sst s7  }
0x10: {  	[smem:$0x3FB6] =	sst s8  }
0x11: {  	[smem:$0x3FB7] =	sst s9;
	s0 =	simm.s32 @!p0 $0x0  }
0x12: {  	s1 =	sld [smem:$0x3F9D];
	s0 =	simm.s32 @p0 $0x1  }
0x13: {  	[smem:$0x3FB8] =	sst s0;
	s0 =	simm.s32 @!p1 $0x0  }
0x14: {  	s2 =	sld [smem:$0x3F9C];
	s0 =	simm.s32 @p1 $0x1  }
0x15: {  	[smem:$0x3FB9] =	sst s0;
	s0 =	simm.s32 @!p2 $0x0  }
0x16: {  	s3 =	sld [smem:$0x3FDB];
	s0 =	simm.s32 @p2 $0x1  }
0x17: {  	s4 =	simm.s32 $0x1BF5;
	[smem:$0x3FBB] =	sst s0  }
0x18: {  	s0 =	sld [smem:$0x3F9E];
	_ =	swait.ge [sflag:s4], $0x0  }
0x19: {  	s7 =	sld [smem:$0x3F9F]  }
0x1a: {  	s8 =	sadd.s32 $0xFFFFE003, lr  }
0x1b: {  	s9 =	sadd.s32 $0xFFFFFEF7, lr;
	s5 =	simm.s32 $0xFFFFFFFF;
	p2 =	slt.u32 s8, $0xFFFFF086  }
0x1c: {  	p1 =	slt.u32 s9, $0xF7A;
	s5 =	simm.s32 @!p2 $0x0  }
0x1d: {  	s5 =	simm.s32 @p1 $0x1;
	p0 =	seq.s32 s7, s2  }
0x1e: {  	s7 =	smul.u32 @!p0 $0xF7A, s2;
	p2 =	seq.s32 @!p0 s5, $0x0  }
0x1f: {  	s9 =	smul.u32 $0xF7A, s1;
	s8 =	simm.s32 @!p0 $0x1BF5;
	p2 =	por !p2, p0  }
0x20: {  	[sflag:s8] =	ssyncset.s32 @!p0 $0xFFFFF086;
	s6 =	sadd.s32 @!p0 s3, s7;
	s7 =	simm.s32 @!p0 $0x108  }
0x21: {  	s3 =	sadd.s32 s3, s9;
	s6 =	sadd.s32 @!p0 $0x88, s6;
	s7 =	simm.s32 @p2 $0x1082  }
0x22: {  	[simem:s7], [sflag:s8] =	dma.local @!p0 [hbm:s6], $0xF7A  }
0x23: {  	s9 =	sor.u32 $0xD0000000, s2;
	s6 =	simm.s32 $0x108;
	_ =	swait.ge @!p0 [sflag:s8], $0x0  }
0x24: {  	s3 =	sadd.s32 $0x88, s3;
	s6 =	simm.s32 @!p1 $0x1082;
	[sflag:s4] =	ssyncset.s32 $0xFFFFF086  }
0x25: {  	[simem:s6], [sflag:s4] =	dma.local [hbm:s3], $0xF7A  }
0x26: {  	[smem:$0x3F9F] =	sst s1;
	(tag) =	ssettag s2;
	_ =	strace s9  }
0x27: {  	s1 =	sld [smem:$0x3FAF]  }
0x28: {  	s2 =	sld [smem:$0x3FB0]  }
0x29: {  	s4 =	sld [smem:$0x3FB2]  }
0x2a: {  	p0 =	seq.s32 s5, $0x0;
	s5 =	sld [smem:$0x3FB3]  }
0x2b: {  	s6 =	sld [smem:$0x3FB4]  }
0x2c: {  	s7 =	sld [smem:$0x3FB5]  }
0x2d: {  	s3 =	simm.s32 $0x108;
	s8 =	sld [smem:$0x3FB6]  }
0x2e: {  	s3 =	simm.s32 @!p0 $0x1082;
	s9 =	sld [smem:$0x3FB7]  }
0x2f: {  	lr =	sadd.s32 s0, s3;
	s0 =	sld [smem:$0x3FAE]  }
0x30: {  	s3 =	sld [smem:$0x3FB1]  }
0x31: {  	[smem:$0x3FBA] =	sst s10  }
0x32: {  	s10 =	sld [smem:$0x3FB8];
	_ =	sdelay $0x3  }
0x33: {  	p0 =	seq.s32 s10, $0x1;
	s10 =	sld [smem:$0x3FBA];
	_ =	sdelay $0x3  }
0x34: {  	[smem:$0x3FBA] =	sst s10  }
0x35: {  	s10 =	sld [smem:$0x3FB9];
	_ =	sdelay $0x3  }
0x36: {  	p1 =	seq.s32 s10, $0x1;
	s10 =	sld [smem:$0x3FBA];
	_ =	sdelay $0x3  }
0x37: {  	[smem:$0x3FBA] =	sst s10  }
0x38: {  	s10 =	sld [smem:$0x3FBB]  }
0x39: {  	_ = 	snop;
	(pc) =	sbr.ind lr, $3  }
0x3a: {  	_ = 	snop  }
0x3b: {  	_ = 	snop  }
0x3c: {  	p2 =	seq.s32 s10, $0x1;
	s10 =	sld [smem:$0x3FBA]  }
0x3d: {  	_ =	shalt  }
0x3e: {  	_ =	shalt  }
0x3f: {  	_ =	shalt  }
0x40: {  	_ =	shalt  }
0x41: {  	_ =	shalt  }
0x42: {  	_ =	shalt  }
0x43: {  	_ =	shalt  }
0x44: {  	_ =	shalt  }
0x45: {  	_ =	shalt  }
0x46: {  	_ =	shalt  }
0x47: {  	_ =	shalt  }
0x48: {  	_ =	shalt  }
0x49: {  	_ =	shalt  }
0x4a: {  	_ =	shalt  }
0x4b: {  	_ =	shalt  }
0x4c: {  	_ =	shalt  }
0x4d: {  	_ =	shalt  }
0x4e: {  	_ =	shalt  }
0x4f: {  	_ =	shalt  }
0x50: {  	_ =	shalt  }
0x51: {  	_ =	shalt  }
0x52: {  	_ =	shalt  }
0x53: {  	_ =	shalt  }
0x54: {  	_ =	shalt  }
0x55: {  	_ =	shalt  }
0x56: {  	_ =	shalt  }
0x57: {  	_ =	shalt  }
0x58: {  	_ =	shalt  }
0x59: {  	_ =	shalt  }
0x5a: {  	_ =	shalt  }
0x5b: {  	_ =	shalt  }
0x5c: {  	_ =	shalt  }
0x5d: {  	_ =	shalt  }
0x5e: {  	_ =	shalt  }
0x5f: {  	_ =	shalt  }
0x60: {  	_ =	shalt  }
0x61: {  	_ =	shalt  }
0x62: {  	_ =	shalt  }
0x63: {  	_ =	shalt  }
0x64: {  	_ =	shalt  }
0x65: {  	_ =	shalt  }
0x66: {  	_ =	shalt  }
0x67: {  	_ =	shalt  }
0x68: {  	_ =	shalt  }
0x69: {  	_ =	shalt  }
0x6a: {  	_ =	shalt  }
0x6b: {  	_ =	shalt  }
0x6c: {  	_ =	shalt  }
0x6d: {  	_ =	shalt  }
0x6e: {  	_ =	shalt  }
0x6f: {  	_ =	shalt  }
0x70: {  	_ =	shalt  }
0x71: {  	_ =	shalt  }
0x72: {  	_ =	shalt  }
0x73: {  	_ =	shalt  }
0x74: {  	_ =	shalt  }
0x75: {  	_ =	shalt  }
0x76: {  	_ =	shalt  }
0x77: {  	_ =	shalt  }
0x78: {  	_ =	shalt  }
0x79: {  	_ =	shalt  }
0x7a: {  	_ =	shalt  }
0x7b: {  	_ =	shalt  }
0x7c: {  	_ =	shalt  }
0x7d: {  	_ =	shalt  }
0x7e: {  	_ =	shalt  }
0x7f: {  	_ =	shalt  }
0x80: {  	_ =	shalt  }
0x81: {  	_ =	shalt  }
0x82: {  	_ =	shalt  }
0x83: {  	_ =	shalt  }
0x84: {  	_ =	shalt  }
0x85: {  	_ =	shalt  }
0x86: {  	_ =	shalt  }
0x87: {  	_ =	shalt  }
.Lfunc_end0:
.L_simem_size_0:
called_computation_lowered:
.L_overlay_start_0:
0x88: {  	s2 =	sld [smem:$0x3FD9]  }
0x89: {  	s3 =	sld [smem:$0x3FFE];
	_ =	sdelay $0x1  }
0x8a: {  	s1 =	srdreg.scid  }
0x8b: {  	s0 =	sand.u32 $0x1, s1  }
0x8c: {  	s16 =	sshll.u32 s0, $0xA;
	s2 =	sadd.s32 s3, s2  }
0x8d: {  	s2 =	sadd.s32 s2, s16  }
0x8e: {  	[smem:$0x3FC6] =	sst s2  }
0x8f: {  	_ = 	snop  }
0x90: {  	(tm) =	ssettm $0x1  }
0x91: {  	s17 =	sld [smem:$0x3FFB];
	_ =	sdelay $0x3  }
0x92: {  	_ =	strace s17  }
0x93: {  	s2 =	sld [smem:$0x3FFC];
	_ =	sdelay $0x3  }
0x94: {  	_ =	strace s2  }
0x95: {  	s2 =	sld [smem:$0x3FFD];
	_ =	sdelay $0x3  }
0x96: {  	_ =	strace s2  }
0x97: {  	_ =	strace $0x8FFFFFFF  }
0x98: {  	s18 =	sld [smem:$0x3FDB];
	_ =	sdelay $0x1  }
0x99: {  	s19 =	simm.s32 $_scs_section_size  }
0x9a: {  	s4 =	simm.s32 $_size__tile_overlayer_lowered;
	s5 =	simm.s32 $_tile_overlayer_lowered  }
0x9b: {  	s22 =	simm.s32 $0x1BFF;
	s21 =	sshll.u32 s5, $0x1;
	s2 =	sadd.s32 s19, s18  }
0x9c: {  	s6 =	simm.s32 $0x0;
	s20 =	sshll.u32 s4, $0x1;
	s4 =	sadd.s32 s21, s2  }
0x9d: {  	[timem:s6], [sflag:s22] =	dma.local [hbm:s4], s20  }
0x9e: {  	_ =	swait.ge [sflag:s22], s20  }
0x9f: {  	s3 =	ssub.s32 $0x0, s20;
	[sflag:s22] =	ssyncset.done $0x0  }
0xa0: {  	[sflag:s22] =	ssyncadd.s32 s3;
	_ =	sdelay $0x1  }
0xa1: {  	s23 =	simm.s32 $0x1B8B  }
0xa2: {  	_ =	swait.ge [sflag:s23], $0x1  }
0xa3: {  	[sflag:s23] =	ssyncset.done $0x0  }
0xa4: {  	s25 =	simm.s32 $0x1B8E;
	s24 =	sld [smem:$0x3FFE];
	[sflag:s23] =	ssyncadd.s32 $0xFFFFFFFF  }
0xa5: {  	s26 =	simm.s32 $execute0_lowered;
	[smem:$0x3FD2] =	sst s25  }
0xa6: {  	s4 =	sshll.u32 s26, $0x1;
	_ =	strace $0x80000046;
	[dreg:$0x1] =	wrdreg $0xFFFFFFFF  }
0xa7: {  	s28 =	simm.s32 $_size_execute0_lowered;
	s2 =	sadd.s32 s2, s4;
	[dreg:$0x0] =	wrdreg $0x0  }
0xa8: {  	s4 =	sshll.u32 s28, $0x1;
	[dreg:$0x2] =	wrdreg s2  }
0xa9: {  	[dreg:$0x3] =	wrdreg s4  }
0xaa: {  	[dreg:$0x4] =	wrdreg $0xC0  }
0xab: {  	_ =	task [dreg:s6], $0x5FFFF  }
0xac: {  	[dreg:$0x1] =	wrdreg $0xFFFFFFFF  }
0xad: {  	[dreg:$0x0] =	wrdreg $0x60  }
0xae: {  	[dreg:$0x2] =	wrdreg s24  }
0xaf: {  	[dreg:$0x3] =	wrdreg $0x9  }
0xb0: {  	_ =	task.clear_ibuf [dreg:s6], $0x4FFFF;
	_ =	strace $0x90000046  }
0xb1: {  	s29 =	simm.s32 $0x9;
	_ =	strace $0x80000048  }
0xb2: {  	_ =	swait.ge [sflag:s29], $0x1  }
0xb3: {  	[sflag:s29] =	ssyncadd.s32 $0xFFFFFFFF  }
0xb4: {  	_ =	strace $0x90000048  }
0xb5: {  	_ =	sfence  }
0xb6: {  	s30 =	sld [smem:$0x0];
	_ =	sdelay $0x2  }
0xb7: {  	s31 =	sshll.u32 s1, $0xD;
	s1 =	sshrl.u32 s1, $0x2  }
0xb8: {  	s3 =	sand.u32 $0x4000, s31;
	s1 =	sadd.s32 s1, s30  }
0xb9: {  	s0 =	sor.u32 s3, s0;
	s1 =	sshll.u32 s1, $0x11  }
0xba: {  	s0 =	sor.u32 s1, s0  }
0xbb: {  	s0 =	sadd.s32 $0x8F2B, s0  }
0xbc: {  	[sflag:s0] =	ssyncadd.remote.s32 $0x1  }
0xbd: {  	_ =	sfence.sel $0xFFFF  }
0xbe: {  	[dreg:$0x0] =	wrdreg $0xFFFFFFFF;
	(pc) =	sbr.abs _section_cstart, $3  }
0xbf: {  	[dreg:$0x1] =	wrdreg $0xFFFFFFFF  }
0xc0: {  	_ =	task.clear_ibuf [dreg:s6], $0x2FFFF;
	_ =	strace $0x9FFFFFFF  }
0xc1: {  	(tm) =	ssettm $0x7FFFFFFF  }
tec
execute0_lowered:
.L_overlay_start_1:
0x0: {  	(tag) =	ssettag $0x1  }
0x1: {  	s5 =	rddreg [dreg:$0x0]  }
0x2: {  	s0 =	rddreg [dreg:$0x1];
	s2 =	simm.s32 $0x0;
	s3 =	srdreg.scid  }
0x3: {  	s1 =	stileid.u32;
	s10 =	simm.s32 $0x8000;
	s11 =	simm.s32 $0x0  }
0x4: {  	s15 =	simm.s32 $0x0;
	s4 =	sand.u32 $0x1, s3;
	s6 =	sshll.u32 s1, $0x1  }
0x5: {  	[smem:$0x7FF] =	sst s2;
	s3 =	sadd.s32 $0x81800, s5;
	s6 =	sor.u32 s4, s6  }
0x6: {  	_ =	strace $0x80000047;
	s7 =	ssub.s32 $0x2, s4;
	s8 =	sshll.u32 s6, $0x4  }
0x7: {  	s4 =	sadd.s32 $0x1800, s5;
	s9 =	sshrl.u32 s7, $0x1;
	s8 =	sadd.s32 s8, s5  }
0x8: {  	s7 =	ssub.s32 s7, s9;
	s5 =	sshll.u32 s6, $0xE;
	s9 =	simm.s32 $0x4000  }
0x9: {  	v0 =	vimm.f32 $0.0e+00;
	s6 =	sadd.s32 $0x101800, s8;
	s7 =	smax.u32 s7, $0x1;
	s8 =	simm.s32 $0x1  }
.LBB2_1:
0xa: {  	v3 =	vimm.f32 $-Inf  }
0xb: {  	v2 =	vimm.f32 $+Inf;
	v1 =	vimm.f32 $0.0e+00;
	v6 =	vimm.f32 $0.0e+00  }
0xc: {  	v5 =	vimm.f32 $-Inf;
	v7 =	vimm.f32 $0.0e+00;
	v8 =	vimm.f32 $0.0e+00;
	s12 =	simm.s32 $0x0  }
.LBB2_2:
0xd: {  	s13 =	sshll.u32 s12, $0xB  }
0xe: {  	s13 =	sadd.s32 s5, s13  }
0xf: {  	s14 =	sadd.s32 s3, s13  }
0x10: {  	[tilespmem:s15], [sflag:$0x1] =	stream.linear.gather [hbm4b:s14+s15], $0x4000, $0x38;
	[tilespmem:$0x8080] =	vst v63  }
0x11: {  	_ =	swait.ge [sflag:s8], $0x4000  }
0x12: {  	[sflag:s8] =	ssyncset.done $0x0  }
0x13: {  	s13 =	sadd.s32 s4, s13;
	[sflag:s8] =	ssyncadd.s32 $0xFFFFC000  }
0x14: {  	[tilespmem:s9], [sflag:$0x1] =	stream.linear.gather [hbm4b:s13+s15], $0x4000, $0x38;
	[tilespmem:$0x8080] =	vst v63  }
0x15: {  	_ =	swait.ge [sflag:s8], $0x4000  }
0x16: {  	[sflag:s8] =	ssyncset.done $0x0  }
0x17: {  	s30 =	simm.s32 $0x0;
	[sflag:s8] =	ssyncadd.s32 $0xFFFFC000  }
0x18: {  	v4 =	vld [tilespmem:s30+$0x4010]  }
0x19: {  	v9 =	vld [tilespmem:s30+$0x4000]  }
0x1a: {  	v10 =	vld [tilespmem:s30+$0x0];
	_ =	sdelay $0x1  }
0x1b: {  	v11 =	vld [tilespmem:s30+$0x10]  }
0x1c: {  	v12 =	vld [tilespmem:s30+$0x4020]  }
0x1d: {  	v15 =	vld [tilespmem:s30+$0x4030];
	v13 =	vmul.f32 v4, v4;
	v14 =	vmul.f32 v9, v9;
	v8 =	vadd.f32 v9, v8  }
0x1e: {  	v5 =	vmax.f32 v5, v9;
	v6 =	vadd.f32 v10, v6;
	v9 =	vld [tilespmem:s30+$0x20];
	v16 =	vmul.f32 v10, v10  }
0x1f: {  	v2 =	vmin.f32 v2, v10;
	v3 =	vmax.f32 v3, v10;
	v7 =	vadd.f32 v14, v7;
	v14 =	vld [tilespmem:s30+$0x30]  }
0x20: {  	v17 =	vmul.f32 v11, v11;
	v5 =	vmax.f32 v5, v4;
	v3 =	vmax.f32 v3, v11  }
0x21: {  	s31 =	simm.s32 $0x40;
	v2 =	vmin.f32 v2, v11;
	v4 =	vadd.f32 v4, v8;
	v5 =	vmax.f32 v5, v12  }
0x22: {  	v19 =	vld [tilespmem:s31+$0x0];
	v6 =	vadd.f32 v11, v6;
	v1 =	vadd.f32 v16, v1;
	v11 =	vmax.f32 v5, v15  }
0x23: {  	v5 =	vmul.f32 v12, v12;
	v7 =	vadd.f32 v13, v7;
	v13 =	vld [tilespmem:s31+$0x4000];
	v2 =	vmin.f32 v2, v9  }
0x24: {  	v10 =	vld [tilespmem:s31+$0x4010];
	v1 =	vadd.f32 v17, v1;
	v16 =	vmin.f32 v2, v14;
	v2 =	vadd.f32 v12, v4  }
0x25: {  	v18 =	vmax.f32 v3, v9;
	v4 =	vadd.f32 v9, v6;
	v6 =	vmul.f32 v9, v9  }
0x26: {  	v3 =	vld [tilespmem:s31+$0x10];
	v7 =	vadd.f32 v5, v7;
	v9 =	vmul.f32 v15, v15;
	v12 =	vadd.f32 v15, v2  }
0x27: {  	v4 =	vadd.f32 v14, v4;
	v8 =	vadd.f32 v6, v1  }
0x28: {  	v2 =	vld [tilespmem:s31+$0x4020];
	v6 =	vadd.f32 v9, v7;
	v7 =	vmul.f32 v13, v13;
	v1 =	vmax.f32 v11, v13  }
0x29: {  	v20 =	vmax.f32 v1, v10;
	v1 =	vld [tilespmem:s31+$0x4030];
	v12 =	vadd.f32 v13, v12;
	v4 =	vadd.f32 v19, v4  }
0x2a: {  	v17 =	vmul.f32 v10, v10;
	v5 =	vmul.f32 v14, v14;
	v21 =	vadd.f32 v7, v6;
	v6 =	vld [tilespmem:s31+$0x20]  }
0x2b: {  	v9 =	vmul.f32 v19, v19;
	v11 =	vadd.f32 v10, v12;
	v10 =	vadd.f32 v3, v4;
	v4 =	vld [tilespmem:s31+$0x30]  }
0x2c: {  	v13 =	vmin.f32 v16, v19;
	v7 =	vmul.f32 v3, v3;
	v12 =	vmax.f32 v18, v14  }
0x2d: {  	s13 =	simm.s32 $0x200;
	v15 =	vmax.f32 v12, v19;
	v12 =	vadd.f32 v17, v21;
	v14 =	vmax.f32 v20, v2  }
.LBB2_3:
0x2e: {  	s14 =	sshra.s32 s13, $0x2;
	p0 =	sne.s32 s13, $0xFF00;
	s13 =	sadd.s32 $0x100, s13;
	v15 =	vmax.f32 v15, v3;
	v3 =	vmin.f32 v13, v3;
	v5 =	vadd.f32 v5, v8  }
0x2f: {  	v13 =	vmax.f32 v14, v1;
	v16 =	vld [tilespmem:s14+$0x4010];
	v15 =	vmax.f32 v15, v6;
	v3 =	vmin.f32 v3, v6  }
0x30: {  	v8 =	vmul.f32 v2, v2;
	v14 =	vld [tilespmem:s14+$0x4000];
	v5 =	vadd.f32 v9, v5;
	v17 =	vmin.f32 v3, v4;
	v18 =	vmovc v4  }
0x31: {  	v2 =	vadd.f32 v2, v11;
	v9 =	vadd.f32 v6, v10;
	v6 =	vmul.f32 v6, v6;
	v19 =	vld [tilespmem:s14+$0x0]  }
0x32: {  	v11 =	vmul.f32 v1, v1;
	v10 =	vadd.f32 v8, v12;
	v3 =	vld [tilespmem:s14+$0x10];
	v7 =	vadd.f32 v7, v5  }
0x33: {  	v1 =	vadd.f32 v1, v2;
	v9 =	vadd.f32 v18, v9;
	v5 =	vmul.f32 v4, v18  }
0x34: {  	v4 =	vadd.f32 v11, v10;
	v12 =	vmul.f32 v16, v16;
	v2 =	vld [tilespmem:s14+$0x4020];
	v8 =	vadd.f32 v6, v7  }
.Ltmp0:
0x35: {  	v10 =	vadd.f32 v14, v1;
	v7 =	vmul.f32 v14, v14;
	v6 =	vmax.f32 v13, v14;
	v1 =	vld [tilespmem:s14+$0x4030];
	(pc) =	sbr.rel @p0 .LBB2_3-.Ltmp0, $4  }
0x36: {  	v14 =	vadd.f32 v19, v9;
	v9 =	vmul.f32 v19, v19;
	v20 =	vmax.f32 v6, v16;
	v6 =	vld [tilespmem:s14+$0x20]  }
0x37: {  	v13 =	vmin.f32 v17, v19;
	v21 =	vadd.f32 v7, v4;
	v7 =	vmul.f32 v3, v3;
	v4 =	vld [tilespmem:s14+$0x30]  }
0x38: {  	v11 =	vadd.f32 v16, v10;
	v10 =	vadd.f32 v3, v14;
	v14 =	vmax.f32 v15, v18  }
0x39: {  	v15 =	vmax.f32 v14, v19;
	v12 =	vadd.f32 v12, v21;
	v14 =	vmax.f32 v20, v2  }
0x3a: {  	v5 =	vadd.f32 v5, v8;
	_ =	sdelay $0x1  }
0x3b: {  	v8 =	vmax.f32 v15, v3;
	v3 =	vmin.f32 v13, v3;
	s12 =	sadd.s32 $0x1, s12;
	v5 =	vadd.f32 v9, v5  }
0x3c: {  	v11 =	vadd.f32 v2, v11;
	v61 =	vmul.f32 v1, v1;
	p0 =	sne.s32 s12, $0x8;
	v9 =	vmax.f32 v8, v6  }
.Ltmp1:
0x3d: {  	v8 =	vmul.f32 v2, v2;
	v2 =	vmul.f32 v6, v6;
	v7 =	vadd.f32 v7, v5;
	(pc) =	sbr.rel @p0 .LBB2_2-.Ltmp1, $4  }
0x3e: {  	v3 =	vmin.f32 v3, v6;
	v6 =	vadd.f32 v6, v10;
	v62 =	vmul.f32 v4, v4  }
0x3f: {  	v5 =	vmax.f32 v14, v1;
	v10 =	vadd.f32 v8, v12;
	v63 =	vadd.f32 v2, v7  }
0x40: {  	v8 =	vadd.f32 v1, v11;
	v6 =	vadd.f32 v4, v6;
	v2 =	vmin.f32 v3, v4  }
0x41: {  	v7 =	vadd.f32 v61, v10;
	v3 =	vmax.f32 v9, v4;
	v1 =	vadd.f32 v62, v63  }
0x42: {  	[tilespmem:$0x8000] =	vst v8  }
0x43: {  	[tilespmem:$0x8020] =	vst v5  }
0x44: {  	[tilespmem:$0x8030] =	vst v6  }
0x45: {  	[tilespmem:$0x8050] =	vst v3  }
0x46: {  	[tilespmem:$0x8060] =	vst v2  }
0x47: {  	[tilespmem:$0x8070] =	vst v0;
	s11 =	sadd.s32 $0x1, s11  }
0x48: {  	[tilespmem:$0x8010] =	vst v7;
	p0 =	sne.s32 s11, s7  }
.Ltmp2:
0x49: {  	[tilespmem:$0x8040] =	vst v1;
	(pc) =	sbr.rel @p0 .LBB2_1-.Ltmp2, $4  }
0x4a: {  	[hbm4b:s6+s2] =	stream.linear.scatter [tilespmem:s10], [sflag:$0x1], $0x80, $0x38;
	[tilespmem:$0x8080] =	vst v63  }
0x4b: {  	_ =	swait.ge [sflag:s8], $0x80  }
0x4c: {  	[sflag:s8] =	ssyncset.done $0x0  }
0x4d: {  	[sflag:s8] =	ssyncadd.s32 $0xFFFFFF80  }
0x4e: {  	_ =	sfence.sel $0x180000  }
0x4f: {  	[bflag:$0x0] =	sbarrier.arrive $0xFFFF  }
0x50: {  	p0 =	sne.s32 s1, $0x0;
	_ =	strace $0x90000047  }
0x51: {  	s0 =	sadd.s32 @!p0 $0x100000, s0;
	[bflag:$0x2] =	sbarrier.arrive $0xFFFF  }
0x52: {  	[sflag:s0] =	ssyncadd.tile.s32 @!p0 $0x1;
	_ =	shalt  }
.Lfunc_end2:
_tile_overlayer_lowered:
.L_overlay_start_2:
0x53: {  	(tag) =	ssettag $0x2  }
0x54: {  	s0 =	rddreg [dreg:$0x0];
	s2 =	stileid.u32  }
0x55: {  	s1 =	rddreg [dreg:$0x1];
	p0 =	sne.s32 s2, $0x0  }
0x56: {  	s3 =	rddreg [dreg:$0x2];
	[bflag:$0x3] =	sbarrier.arrive $0xFFFF;
	s2 =	simm.s32 @!p0 $0x1C01  }
0x57: {  	[timem:s3], [sflag:s2] =	dma.local @!p0 [hbm:s0], s1  }
0x58: {  	s0 =	simm.s32 @!p0 $0x1  }
0x59: {  	_ =	swait.ge @!p0 [sflag:s0], s1  }
0x5a: {  	s1 =	ssub.s32 @!p0 $0x0, s1;
	[sflag:s0] =	ssyncset.done @!p0 $0x0  }
0x5b: {  	[sflag:s0] =	ssyncadd.s32 @!p0 s1  }
0x5c: {  	[bflag:$0x3] =	sbarrier.arrive $0xFFFF  }
0x5d: {  	_ =	shalt  }

</sc_bundles>
